<compile_context>
chip_gen: v7x
topology: tpu7x:2x2x1
jax: 0.10.2.dev20260603
libtpu: 0.0.44.dev20260713+nightly
codegen_flags: <defaults>
</compile_context>

<pallas_src>
import jax
import jax.numpy as jnp
from jax.experimental import pallas as pl
from jax.experimental.pallas import tpu as pltpu


def _vq_body(uv_ref, w0_ref, w1_ref, w2_ref, cb_ref, out_ref):
    C = uv_ref.shape[2]
    u = uv_ref[0, 0]
    v = uv_ref[0, 1]
    v_prev = jnp.concatenate(
        [jnp.zeros((C, 1), jnp.bfloat16), v[:, :-1]], axis=1)
    y = (
        jnp.dot(w1_ref[...], u, preferred_element_type=jnp.float32)
        + jnp.dot(w2_ref[...], v, preferred_element_type=jnp.float32)
        + jnp.dot(w0_ref[...], v_prev, preferred_element_type=jnp.float32)
    )
    yn2 = jnp.sum(y * y, axis=0, keepdims=True)
    enc = (y * (1.0 / jnp.maximum(jnp.sqrt(yn2), 1e-12))).astype(jnp.bfloat16)
    cb = cb_ref[...]
    ss = jnp.sum(cb * cb, axis=1, keepdims=True)
    cbn = cb * (1.0 / jnp.maximum(jnp.sqrt(ss), 1e-12))
    scores = jnp.dot(cbn.astype(jnp.bfloat16), enc,
                     preferred_element_type=jnp.float32)
    idx = jnp.argmax(scores, axis=0)
    out_ref[0] = idx.reshape(1, -1)


@jax.jit
def kernel(x, W_conv, codebook):
    B, C, L = x.shape
    O = W_conv.shape[0]
    K, D = codebook.shape
    T = L // 2
    W0 = W_conv[:, :, 0].astype(jnp.bfloat16)
    W1 = W_conv[:, :, 1].astype(jnp.bfloat16)
    W2 = W_conv[:, :, 2].astype(jnp.bfloat16)
    uv = jnp.moveaxis(x.reshape(B, C, T, 2), 3, 1).astype(jnp.bfloat16)
    out = pl.pallas_call(
        _vq_body,
        grid=(B,),
        in_specs=[
            pl.BlockSpec((1, 2, C, T), lambda b: (b, 0, 0, 0)),
            pl.BlockSpec((O, C), lambda b: (0, 0)),
            pl.BlockSpec((O, C), lambda b: (0, 0)),
            pl.BlockSpec((O, C), lambda b: (0, 0)),
            pl.BlockSpec((K, D), lambda b: (0, 0)),
        ],
        out_specs=pl.BlockSpec((1, 1, T), lambda b: (b, 0, 0)),
        out_shape=jax.ShapeDtypeStruct((B, 1, T), jnp.int32),
        compiler_params=pltpu.CompilerParams(
            dimension_semantics=("parallel",),
            allow_input_fusion=[True, False, False, False, False],
        ),
    )(uv, W0, W1, W2, codebook)
    return out.reshape(B, T)

# --- scband reference (transcript-rebuilt; emitter-appended) ---
"""Pipeline reference for scband-vector-quantize-44452911514211 (READ-ONLY COPY).

The authoritative reference and input builder live on the scoring server;
editing this copy changes nothing except your own understanding.
"""

import jax, jax.numpy as jnp
import numpy as np
from jax import lax


def setup_inputs(seed: int = 0) -> dict:
    key = jax.random.key(seed)
    k1, k2, k3 = jax.random.split(key, 3)
    x = jax.random.normal(k1, (16, 256, 4096), dtype=jnp.float32)
    # Conv1d weight: (out_channels=codebook_dim, in_channels=input_dim, kernel=3)
    W_conv = jax.random.normal(k2, (64, 256, 3), dtype=jnp.float32) * 0.05
    # Embedding table: (codebook_size, codebook_dim)
    codebook = jax.random.normal(k3, (1024, 64), dtype=jnp.float32)
    return {"x": x, "W_conv": W_conv, "codebook": codebook}


def _normalize(v, eps=1e-12):
    n = jnp.linalg.norm(v, axis=1, keepdims=True)
    return v / jnp.maximum(n, eps)


def reference(x, W_conv, codebook):
    # in_proj: single Conv1d(input_dim -> codebook_dim, k=3, stride=2, pad=1, no bias)
    x_e = lax.conv_general_dilated(
        x, W_conv,
        window_strides=(2,),
        padding=((1, 1),),
        dimension_numbers=("NCH", "OIH", "NCH"),
    )  # [B, codebook_dim, T/2]
    b, d, t = x_e.shape
    # rearrange 'b d t -> (b t) d'
    encodings = jnp.transpose(x_e, (0, 2, 1)).reshape(b * t, d)
    encodings = _normalize(encodings)
    cb = _normalize(codebook)
    dist = (
        jnp.sum(encodings ** 2, axis=1, keepdims=True)
        - 2.0 * (encodings @ cb.T)
        + jnp.sum(cb ** 2, axis=1, keepdims=True).T
    )  # [(b t), K]
    indices = jnp.argmax(-dist, axis=1).reshape(b, t)
    return indices

if __name__ == "__main__":
    import jax
    _d = setup_inputs()
    print(jax.jit(kernel)(*tuple(_d.values())))

</pallas_src>

<mosaic_0001>
module attributes {stable_mosaic.version = 14 : i64} {
  func.func @_vq_body(%arg0: i32, %arg1: memref<1x2x256x2048xbf16, #tpu.memory_space<vmem>>, %arg2: memref<64x256xbf16, #tpu.memory_space<vmem>>, %arg3: memref<64x256xbf16, #tpu.memory_space<vmem>>, %arg4: memref<64x256xbf16, #tpu.memory_space<vmem>>, %arg5: memref<1024x64xf32, #tpu.memory_space<vmem>>, %arg6: memref<1x1x2048xi32, #tpu.memory_space<vmem>>) attributes {dimension_semantics = [#tpu.dimension_semantics<parallel>], iteration_bounds = array<i64: 16>, scalar_prefetch = 0 : i64, scratch_operands = 0 : i64, tpu.core_type = #tpu.core_type<tc>, window_params = [{transform_indices = @transform_0, window_bounds = array<i64: 1, 2, 256, 2048>}, {pipeline_mode = #tpu.pipeline_mode<synchronous>, transform_indices = @transform_1, window_bounds = array<i64: 64, 256>}, {pipeline_mode = #tpu.pipeline_mode<synchronous>, transform_indices = @transform_2, window_bounds = array<i64: 64, 256>}, {pipeline_mode = #tpu.pipeline_mode<synchronous>, transform_indices = @transform_3, window_bounds = array<i64: 64, 256>}, {pipeline_mode = #tpu.pipeline_mode<synchronous>, transform_indices = @transform_4, window_bounds = array<i64: 1024, 64>}, {transform_indices = @transform_5, window_bounds = array<i64: 1, 1, 2048>}]} {
    %get3A = arith.constant 0 : index
    %get3A_0 = arith.constant 0 : index
    %get3A_1 = arith.constant 0 : index
    %get3A_2 = arith.constant 0 : index
    %get3A_3 = vector.load %arg1[%get3A, %get3A_0, %get3A_1, %get3A_2] : memref<1x2x256x2048xbf16, #tpu.memory_space<vmem>>, vector<1x1x256x2048xbf16>
    %get3A_4 = vector.shape_cast %get3A_3 : vector<1x1x256x2048xbf16> to vector<256x2048xbf16>
    %get3A_5 = arith.constant 0 : index
    %get3A_6 = arith.constant 1 : index
    %get3A_7 = arith.constant 0 : index
    %get3A_8 = arith.constant 0 : index
    %get3A_9 = vector.load %arg1[%get3A_5, %get3A_6, %get3A_7, %get3A_8] : memref<1x2x256x2048xbf16, #tpu.memory_space<vmem>>, vector<1x1x256x2048xbf16>
    %get3A_10 = vector.shape_cast %get3A_9 : vector<1x1x256x2048xbf16> to vector<256x2048xbf16>
    %broadcast_in_dim3A = arith.constant 0.000000e+00 : bf16
    %broadcast_in_dim3A_11 = vector.broadcast %broadcast_in_dim3A : bf16 to vector<256x1xbf16>
    %slice3A = vector.extract_strided_slice %get3A_10 {offsets = [0, 0], sizes = [256, 2047], strides = [1, 1]} : vector<256x2048xbf16> to vector<256x2047xbf16>
    %concatenate3A = tpu.concatenate %broadcast_in_dim3A_11, %slice3A in 1 : vector<256x1xbf16>, vector<256x2047xbf16> -> vector<256x2048xbf16>
    %get3A_12 = arith.constant 0 : index
    %get3A_13 = arith.constant 0 : index
    %get3A_14 = vector.load %arg3[%get3A_12, %get3A_13] : memref<64x256xbf16, #tpu.memory_space<vmem>>, vector<64x256xbf16>
    %dot_general3A = arith.constant dense<0.000000e+00> : vector<64x2048xf32>
    %dot_general3A_15 = tpu.matmul %get3A_14, %get3A_4, %dot_general3A {dimension_numbers = #tpu.dot_dimension_numbers<[1], [0], [0], [1], [0, 0, 1, 1], [], []>, transpose_lhs_hint = false} : vector<64x256xbf16>, vector<256x2048xbf16>, vector<64x2048xf32> -> vector<64x2048xf32>
    %get3A_16 = arith.constant 0 : index
    %get3A_17 = arith.constant 0 : index
    %get3A_18 = vector.load %arg4[%get3A_16, %get3A_17] : memref<64x256xbf16, #tpu.memory_space<vmem>>, vector<64x256xbf16>
    %dot_general3A_19 = arith.constant dense<0.000000e+00> : vector<64x2048xf32>
    %dot_general3A_20 = tpu.matmul %get3A_18, %get3A_10, %dot_general3A_19 {dimension_numbers = #tpu.dot_dimension_numbers<[1], [0], [0], [1], [0, 0, 1, 1], [], []>, transpose_lhs_hint = false} : vector<64x256xbf16>, vector<256x2048xbf16>, vector<64x2048xf32> -> vector<64x2048xf32>
    %add3A = arith.addf %dot_general3A_15, %dot_general3A_20 : vector<64x2048xf32>
    %get3A_21 = arith.constant 0 : index
    %get3A_22 = arith.constant 0 : index
    %get3A_23 = vector.load %arg2[%get3A_21, %get3A_22] : memref<64x256xbf16, #tpu.memory_space<vmem>>, vector<64x256xbf16>
    %dot_general3A_24 = arith.constant dense<0.000000e+00> : vector<64x2048xf32>
    %dot_general3A_25 = tpu.matmul %get3A_23, %concatenate3A, %dot_general3A_24 {dimension_numbers = #tpu.dot_dimension_numbers<[1], [0], [0], [1], [0, 0, 1, 1], [], []>, transpose_lhs_hint = false} : vector<64x256xbf16>, vector<256x2048xbf16>, vector<64x2048xf32> -> vector<64x2048xf32>
    %add3A_26 = arith.addf %add3A, %dot_general3A_25 : vector<64x2048xf32>
    %mul3A = arith.mulf %add3A_26, %add3A_26 : vector<64x2048xf32>
    %reduce_sum3A = arith.constant dense<0.000000e+00> : vector<2048xf32>
    %reduce_sum3A_27 = vector.multi_reduction <add>, %mul3A, %reduce_sum3A [0] : vector<64x2048xf32> to vector<2048xf32>
    %broadcast_in_dim3A_28 = vector.shape_cast %reduce_sum3A_27 : vector<2048xf32> to vector<1x2048xf32>
    %sqrt3A = math.sqrt %broadcast_in_dim3A_28 : vector<1x2048xf32>
    %max3A = arith.constant 9.99999996E-13 : f32
    %max3A_29 = vector.broadcast %max3A : f32 to vector<1x2048xf32>
    %max3A_30 = arith.maximumf %sqrt3A, %max3A_29 : vector<1x2048xf32>
    %div3A = arith.constant 1.000000e+00 : f32
    %div3A_31 = vector.broadcast %div3A : f32 to vector<1x2048xf32>
    %div3A_32 = arith.divf %div3A_31, %max3A_30 : vector<1x2048xf32>
    %mul3A_33 = vector.broadcast %div3A_32 : vector<1x2048xf32> to vector<64x2048xf32>
    %mul3A_34 = arith.mulf %add3A_26, %mul3A_33 : vector<64x2048xf32>
    %convert_element_type3A = arith.truncf %mul3A_34 : vector<64x2048xf32> to vector<64x2048xbf16>
    %get3A_35 = arith.constant 0 : index
    %get3A_36 = arith.constant 0 : index
    %get3A_37 = vector.load %arg5[%get3A_35, %get3A_36] : memref<1024x64xf32, #tpu.memory_space<vmem>>, vector<1024x64xf32>
    %mul3A_38 = arith.mulf %get3A_37, %get3A_37 : vector<1024x64xf32>
    %reduce_sum3A_39 = arith.constant dense<0.000000e+00> : vector<1024xf32>
    %reduce_sum3A_40 = vector.multi_reduction <add>, %mul3A_38, %reduce_sum3A_39 [1] : vector<1024x64xf32> to vector<1024xf32>
    %broadcast_in_dim3A_41 = vector.shape_cast %reduce_sum3A_40 : vector<1024xf32> to vector<1024x1xf32>
    %sqrt3A_42 = math.sqrt %broadcast_in_dim3A_41 : vector<1024x1xf32>
    %max3A_43 = arith.constant 9.99999996E-13 : f32
    %max3A_44 = vector.broadcast %max3A_43 : f32 to vector<1024x1xf32>
    %max3A_45 = arith.maximumf %sqrt3A_42, %max3A_44 : vector<1024x1xf32>
    %div3A_46 = arith.constant 1.000000e+00 : f32
    %div3A_47 = vector.broadcast %div3A_46 : f32 to vector<1024x1xf32>
    %div3A_48 = arith.divf %div3A_47, %max3A_45 : vector<1024x1xf32>
    %mul3A_49 = vector.broadcast %div3A_48 : vector<1024x1xf32> to vector<1024x64xf32>
    %mul3A_50 = arith.mulf %get3A_37, %mul3A_49 : vector<1024x64xf32>
    %convert_element_type3A_51 = arith.truncf %mul3A_50 : vector<1024x64xf32> to vector<1024x64xbf16>
    %dot_general3A_52 = arith.constant dense<0.000000e+00> : vector<1024x2048xf32>
    %dot_general3A_53 = tpu.matmul %convert_element_type3A_51, %convert_element_type3A, %dot_general3A_52 {dimension_numbers = #tpu.dot_dimension_numbers<[1], [0], [0], [1], [0, 0, 1, 1], [], []>, transpose_lhs_hint = false} : vector<1024x64xbf16>, vector<64x2048xbf16>, vector<1024x2048xf32> -> vector<1024x2048xf32>
    %argmax3A = tpu.reduce_index %dot_general3A_53 {axis = 0 : i32, kind = #tpu.reduction_kind<arg_max>} : vector<1024x2048xf32> -> vector<2048xi32>
    %reshape3A = vector.shape_cast %argmax3A : vector<2048xi32> to vector<1x2048xi32>
    %swap3A = arith.constant 0 : index
    %swap3A_54 = arith.constant 0 : index
    %swap3A_55 = arith.constant 0 : index
    %swap3A_56 = vector.load %arg6[%swap3A, %swap3A_54, %swap3A_55] : memref<1x1x2048xi32, #tpu.memory_space<vmem>>, vector<1x1x2048xi32>
    %swap3A_57 = vector.shape_cast %swap3A_56 : vector<1x1x2048xi32> to vector<1x2048xi32>
    %swap3A_58 = vector.shape_cast %reshape3A : vector<1x2048xi32> to vector<1x1x2048xi32>
    tpu.vector_store %arg6[%swap3A, %swap3A_54, %swap3A_55], %swap3A_58 {strides = array<i32>} : memref<1x1x2048xi32, #tpu.memory_space<vmem>>, vector<1x1x2048xi32>,
    return
  }
  func.func @transform_0(%arg0: i32) -> (i32, i32, i32, i32) {
    %c0_i32 = arith.constant 0 : i32
    %c0_i32_0 = arith.constant 0 : i32
    %c0_i32_1 = arith.constant 0 : i32
    %c0_i32_2 = arith.constant 0 : i32
    return %arg0, %c0_i32, %c0_i32_0, %c0_i32_1 : i32, i32, i32, i32
  }
  func.func @transform_1(%arg0: i32) -> (i32, i32) {
    %c0_i32 = arith.constant 0 : i32
    %c0_i32_0 = arith.constant 0 : i32
    %c0_i32_1 = arith.constant 0 : i32
    return %c0_i32, %c0_i32_0 : i32, i32
  }
  func.func @transform_2(%arg0: i32) -> (i32, i32) {
    %c0_i32 = arith.constant 0 : i32
    %c0_i32_0 = arith.constant 0 : i32
    %c0_i32_1 = arith.constant 0 : i32
    return %c0_i32, %c0_i32_0 : i32, i32
  }
  func.func @transform_3(%arg0: i32) -> (i32, i32) {
    %c0_i32 = arith.constant 0 : i32
    %c0_i32_0 = arith.constant 0 : i32
    %c0_i32_1 = arith.constant 0 : i32
    return %c0_i32, %c0_i32_0 : i32, i32
  }
  func.func @transform_4(%arg0: i32) -> (i32, i32) {
    %c0_i32 = arith.constant 0 : i32
    %c0_i32_0 = arith.constant 0 : i32
    %c0_i32_1 = arith.constant 0 : i32
    return %c0_i32, %c0_i32_0 : i32, i32
  }
  func.func @transform_5(%arg0: i32) -> (i32, i32, i32) {
    %c0_i32 = arith.constant 0 : i32
    %c0_i32_0 = arith.constant 0 : i32
    %c0_i32_1 = arith.constant 0 : i32
    return %arg0, %c0_i32, %c0_i32_0 : i32, i32, i32
  }
}

</mosaic_0001>

<sc_bundles>
// kernel: sparse-core-data-format-call.cloned.1.call-start
scs
called_computation_lowered:
.L_overlay_start_0:
0x0: {  	s1 =	sld [smem:$0x3FD9]  }
0x1: {  	s2 =	sld [smem:$0x3FFE];
	_ =	sdelay $0x1  }
0x2: {  	s3 =	srdreg.scid  }
0x3: {  	s0 =	sand.u32 $0x1, s3  }
0x4: {  	s17 =	sshll.u32 s0, $0xA;
	s1 =	sadd.s32 s2, s1  }
0x5: {  	s1 =	sadd.s32 s1, s17  }
0x6: {  	[smem:$0x3FC5] =	sst s1  }
0x7: {  	_ = 	snop  }
0x8: {  	(tm) =	ssettm $0x1  }
0x9: {  	s18 =	sld [smem:$0x3FFB];
	_ =	sdelay $0x3  }
0xa: {  	_ =	strace s18  }
0xb: {  	s1 =	sld [smem:$0x3FFC];
	_ =	sdelay $0x3  }
0xc: {  	_ =	strace s1  }
0xd: {  	s1 =	sld [smem:$0x3FFD];
	_ =	sdelay $0x3  }
0xe: {  	_ =	strace s1  }
0xf: {  	_ =	strace $0x8FFFFFFF  }
0x10: {  	s19 =	sld [smem:$0x3FDB];
	_ =	sdelay $0x1  }
0x11: {  	s20 =	simm.s32 $_scs_section_size  }
0x12: {  	s4 =	simm.s32 $_size__tile_overlayer_lowered;
	s5 =	simm.s32 $_tile_overlayer_lowered  }
0x13: {  	s23 =	simm.s32 $0x1BFF;
	s22 =	sshll.u32 s5, $0x1;
	s1 =	sadd.s32 s20, s19  }
0x14: {  	s6 =	simm.s32 $0x0;
	s21 =	sshll.u32 s4, $0x1;
	s4 =	sadd.s32 s22, s1  }
0x15: {  	[timem:s6], [sflag:s23] =	dma.local [hbm:s4], s21  }
0x16: {  	_ =	swait.ge [sflag:s23], s21  }
0x17: {  	s2 =	ssub.s32 $0x0, s21;
	[sflag:s23] =	ssyncset.done $0x0  }
0x18: {  	[sflag:s23] =	ssyncadd.s32 s2;
	_ =	sdelay $0x1  }
0x19: {  	s24 =	simm.s32 $0x1B8B  }
0x1a: {  	_ =	swait.ge [sflag:s24], $0x1  }
0x1b: {  	[sflag:s24] =	ssyncset.done $0x0  }
0x1c: {  	s26 =	simm.s32 $0x1B8E;
	s25 =	sld [smem:$0x3FFE];
	[sflag:s24] =	ssyncadd.s32 $0xFFFFFFFF  }
0x1d: {  	s27 =	simm.s32 $execute0_lowered;
	[smem:$0x3FD2] =	sst s26  }
0x1e: {  	s4 =	sshll.u32 s27, $0x1;
	_ =	strace $0x80000046;
	[dreg:$0x1] =	wrdreg $0xFFFFFFFF  }
0x1f: {  	s28 =	simm.s32 $_size_execute0_lowered;
	s1 =	sadd.s32 s1, s4;
	[dreg:$0x0] =	wrdreg $0x0  }
0x20: {  	s4 =	sshll.u32 s28, $0x1;
	[dreg:$0x2] =	wrdreg s1  }
0x21: {  	[dreg:$0x3] =	wrdreg s4  }
0x22: {  	[dreg:$0x4] =	wrdreg $0xC0  }
0x23: {  	_ =	task [dreg:s6], $0x5FFFF  }
0x24: {  	[dreg:$0x1] =	wrdreg $0xFFFFFFFF  }
0x25: {  	[dreg:$0x0] =	wrdreg $0x60  }
0x26: {  	[dreg:$0x2] =	wrdreg s25  }
0x27: {  	[dreg:$0x3] =	wrdreg $0x9  }
0x28: {  	_ =	task.clear_ibuf [dreg:s6], $0x4FFFF;
	_ =	strace $0x90000046  }
0x29: {  	s29 =	simm.s32 $0x9;
	_ =	strace $0x80000048  }
0x2a: {  	_ =	swait.ge [sflag:s29], $0x1  }
0x2b: {  	[sflag:s29] =	ssyncadd.s32 $0xFFFFFFFF  }
0x2c: {  	_ =	strace $0x90000048  }
0x2d: {  	_ =	sfence  }
0x2e: {  	s30 =	sld [smem:$0x0];
	_ =	sdelay $0x2  }
0x2f: {  	s31 =	sshll.u32 s3, $0xD;
	s3 =	sshrl.u32 s3, $0x2  }
0x30: {  	s2 =	sand.u32 $0x4000, s31;
	s1 =	sadd.s32 s3, s30  }
0x31: {  	s0 =	sor.u32 s2, s0;
	s1 =	sshll.u32 s1, $0x11  }
0x32: {  	s0 =	sor.u32 s1, s0  }
0x33: {  	s0 =	sadd.s32 $0x8F2B, s0  }
0x34: {  	[sflag:s0] =	ssyncadd.remote.s32 $0x1  }
0x35: {  	_ =	sfence.sel $0xFFFF  }
0x36: {  	[dreg:$0x0] =	wrdreg $0xFFFFFFFF;
	(pc) =	sbr.abs _section_cstart, $3  }
0x37: {  	[dreg:$0x1] =	wrdreg $0xFFFFFFFF  }
0x38: {  	_ =	task.clear_ibuf [dreg:s6], $0x2FFFF;
	_ =	strace $0x9FFFFFFF  }
0x39: {  	(tm) =	ssettm $0x7FFFFFFF  }
tec
execute0_lowered:
.L_overlay_start_1:
0x0: {  	(tag) =	ssettag $0x1  }
0x1: {  	s0 =	stileid.u32  }
0x2: {  	s2 =	srdreg.scid;
	s8 =	rddreg [dreg:$0x0]  }
0x3: {  	s5 =	simm.s32 $0x1;
	s9 =	simm.s32 $0x2;
	s19 =	simm.s32 $0x0  }
0x4: {  	s10 =	simm.s32 $0x2000;
	s17 =	simm.s32 $0x0;
	s18 =	simm.s32 $0x0  }
0x5: {  	s16 =	simm.s32 $0x0;
	s11 =	simm.s32 $0x0;
	s1 =	sshll.u32 s0, $0x7  }
0x6: {  	s12 =	simm.s32 $0x0;
	s15 =	simm.s32 $0x0;
	s4 =	ssub.s32 $0x800, s1  }
0x7: {  	s3 =	sand.u32 $0x1, s2;
	s2 =	rddreg [dreg:$0x1];
	s30 =	sand.u32 $0x780, s4  }
0x8: {  	_ =	strace $0x80000047;
	s6 =	ssub.s32 $0x2, s3;
	p0 =	sne.s32 s30, $0x0  }
0x9: {  	s4 =	sshrl.u32 s4, $0xB;
	s7 =	sshrl.u32 s6, $0x1;
	s5 =	simm.s32 @!p0 $0x0  }
.Ltmp0:
0xa: {  	s31 =	ssub.s32 s6, s7;
	s4 =	sadd.s32 s5, s4;
	(pc) =	sbr.rel .LBB1_1-.Ltmp0, $4  }
0xb: {  	s13 =	smov.u32 s3;
	s6 =	simm.s32 $0x1;
	s7 =	smul.u32 s4, s31  }
0xc: {  	s14 =	smov.u32 s1;
	[sflag:s6] =	ssyncpa.u1 $0x0;
	p0 =	por $0x0, $0x0  }
0xd: {  	s5 =	sadd.s32 $0x100A00, s8;
	[sflag:s9] =	ssyncpa.u1 $0x0;
	s7 =	sshll.u32 s7, $0x4  }
0xe: {  	s4 =	sadd.s32 $0xA00, s8;
	s8 =	sadd.s32 $0x110A00, s8;
	s9 =	sor.u32 $0x1, s7  }
.LBB1_4:
0xf: {  	v11 =	vld [tilespmem:s24+$0xFFFFFFE0];
	v12 =	vcombine.low v6, v7  }
0x10: {  	v3 =	vperm.xlane.i2c.b16 v3;
	[tilespmem:s25+$0x3870 ss:$0x81] =	vst.msk $0xffff, v9;
	v46 =	vld [tilespmem:s24+$0xFFFFFFF0];
	v4 =	vperm.xlane.i2c.b16 v4  }
0x11: {  	v47 =	vcombine.high v6, v7;
	[tilespmem:s23+$0x2040 ss:$0x81] =	vst.msk $0xffff, v10;
	v48 =	vld [tilespmem:s24+$0x0];
	v5 =	vperm.xlane.i2c.b16 v5  }
0x12: {  	v50 =	vld [tilespmem:s24+$0x10];
	v2 =	vperm.xlane.i2c.b16 v2;
	[tilespmem:s25+$0x810 ss:$0x81] =	vst.msk $0xffff, v12;
	v49 =	vcombine.low v8, v3  }
0x13: {  	v52 =	vld [tilespmem:s24+$0xFFFFFFC0];
	v1 =	vperm.xlane.i2c.b16 v1;
	v51 =	vcombine.low v4, v0;
	[tilespmem:s25+$0x2850 ss:$0x81] =	vst.msk $0xffff, v47  }
0x14: {  	s28 =	sshra.s32 s26, $0x2;
	v3 =	vcombine.high v8, v3;
	v53 =	vcombine.low v2, v5;
	[tilespmem:s25+$0x1020 ss:$0x81] =	vst.msk $0xffff, v49  }
0x15: {  	s22 =	sadd.s32 s28, s22;
	v2 =	vcombine.high v2, v5;
	v56 =	vcombine.high v4, v0;
	[tilespmem:s25+$0x0 ss:$0x81] =	vst.msk $0xffff, v51  }
0x16: {  	[tilespmem:s22+$0x1830 ss:$0x81] =	vst.msk $0xffff, v53;
	v11 =	vperm.xlane.i2c.b16 v11;
	v54 =	vperm.xlane.i2c.b16 v46  }
0x17: {  	s29 =	sshll.u32 s19, $0xB;
	s30 =	sshll.u32 s16, $0x3;
	s26 =	sshll.u32 s19, $0x7;
	[tilespmem:s25+$0x3060 ss:$0x81] =	vst.msk $0xffff, v3;
	v55 =	vperm.xlane.i2c.b16 v48;
	v58 =	vperm.xlane.i2c.b16 v50  }
0x18: {  	s27 =	sshll.u32 s16, $0x1;
	s17 =	sshll.u32 s17, $0x10;
	s18 =	sshll.u32 s18, $0xF;
	[tilespmem:s22+$0x3870 ss:$0x81] =	vst.msk $0xffff, v2;
	v60 =	vperm.xlane.i2c.b16 v52;
	v57 =	vcombine.low v11, v54  }
0x19: {  	s23 =	sand.u32 $0x7C000, s29;
	s31 =	sand.u32 $0x7FC00, s30;
	s19 =	sand.u32 $0x300, s26;
	[tilespmem:s25+$0x2040 ss:$0x81] =	vst.msk $0xffff, v56;
	v61 =	vcombine.low v55, v58  }
0x1a: {  	s24 =	sand.u32 $0x400, s30;
	s28 =	sadd.s32 s18, s17;
	s29 =	sand.u32 $0x7, s16;
	v63 =	vcombine.low v60, v1;
	[tilespmem:s22+$0x810 ss:$0x81] =	vst.msk $0xffff, v57  }
0x1b: {  	s18 =	sadd.s32 s18, s8;
	s23 =	sadd.s32 s31, s23;
	s25 =	sand.u32 $0xF0, s27;
	v59 =	vcombine.high v11, v54;
	[tilespmem:s22+$0x1020 ss:$0x81] =	vst.msk $0xffff, v61  }
0x1c: {  	s16 =	sshll.u32 s29, $0x12;
	s23 =	sshrl.u32 s23, $0x4;
	s24 =	sor.u32 s24, s25;
	v62 =	vcombine.high v55, v58;
	[tilespmem:s22+$0x0 ss:$0x81] =	vst.msk $0xffff, v63  }
0x1d: {  	s23 =	sand.u32 $0x7F80, s23;
	s19 =	sor.u32 s19, s24;
	v0 =	vcombine.high v60, v1;
	s24 =	sadd.s32 s5, s28;
	[tilespmem:s22+$0x2850 ss:$0x81] =	vst.msk $0xffff, v59  }
0x1e: {  	s17 =	sadd.s32 s17, s18;
	s19 =	sshrl.u32 s19, $0x4;
	s24 =	sadd.s32 s23, s24;
	[tilespmem:s22+$0x3060 ss:$0x81] =	vst.msk $0xffff, v62  }
0x1f: {  	s16 =	sor.u32 $0x200, s16;
	s17 =	sadd.s32 s23, s17;
	s30 =	sadd.s32 s19, s24;
	[tilespmem:s22+$0x2040 ss:$0x81] =	vst.msk $0xffff, v0  }
0x20: {  	[hbm4b:s30+s16] =	stream.strided.scatter [tilespmem:s21], [sflag:$0x2], $0x2000, s10, s16, $0x20;
	[tilespmem:$0x10100] =	vst v63  }
0x21: {  	s31 =	sadd.s32 $0xA040, s20;
	s17 =	sadd.s32 s19, s17  }
0x22: {  	[hbm4b:s17+s16] =	stream.strided.scatter [tilespmem:s31], [sflag:$0x2], $0x2000, s10, s16, $0x20;
	[tilespmem:$0x10100] =	vst v63  }
.LBB1_5:
0x23: {  	s20 =	sadd.s32 $0x80, s11  }
0x24: {  	s16 =	sadd.s32 $0x2, s12;
	s21 =	smov.u32 s12;
	p2 =	sgt.s32 s20, $0xFF  }
0x25: {  	s21 =	smov.u32 @p2 s16  }
0x26: {  	s22 =	smov.u32 s13;
	s16 =	sadd.s32 $0x2, s13;
	p3 =	sgt.s32 s21, $0xF  }
0x27: {  	s22 =	smov.u32 @p3 s16  }
0x28: {  	s23 =	smov.u32 s14;
	s16 =	sadd.s32 $0x800, s14;
	p4 =	sgt.s32 s22, $0x1  }
0x29: {  	p1 =	slt.u32 s15, $0x2;
	s23 =	smov.u32 @p4 s16  }
0x2a: {  	s19 =	smov.u32 s11;
	s20 =	simm.s32 @p2 $0x0;
	p2 =	sgt.s32 s23, $0x7FF  }
0x2b: {  	s24 =	simm.s32 @!p1 $0x2;
	s23 =	smov.u32 @p2 s1;
	p2 =	sne.s32 s15, s9  }
.Ltmp1:
0x2c: {  	s17 =	smov.u32 s12;
	_ =	swait.ge @!p1 [sflag:s24], $0x4000;
	(pc) =	sbr.rel @!p2 .LBB1_6-.Ltmp1, $4  }
0x2d: {  	s18 =	smov.u32 s13;
	p0 =	por !p0, !p0;
	[sflag:s24] =	ssyncset.done @!p1 $0x0  }
0x2e: {  	s11 =	smov.u32 s20;
	s21 =	simm.s32 @p3 $0x0;
	[sflag:s24] =	ssyncadd.s32 @!p1 $0xFFFFC000  }
0x2f: {  	s12 =	smov.u32 s21;
	s22 =	smov.u32 @p4 s3;
	s16 =	smov.u32 s14  }
0x30: {  	s13 =	smov.u32 s22;
	s15 =	sadd.s32 $0x1, s15;
	s14 =	smov.u32 s23  }
.LBB1_1:
0x31: {  	p1 =	sge.u32 s15, s7  }
0x32: {  	s20 =	sshll.u32 @!p1 s12, $0x8;
	s21 =	sshll.u32 @!p1 s11, $0x3  }
0x33: {  	s22 =	sshll.u32 @!p1 s12, $0x7;
	s20 =	sand.u32 @!p1 $0x800, s20;
	s21 =	sand.u32 @!p1 $0xC00, s21  }
0x34: {  	s31 =	sadd.s32 $0xFFFFFFFF, s15;
	s20 =	sadd.s32 @!p1 s20, s21;
	s21 =	sand.u32 @!p1 $0x300, s22  }
0x35: {  	s24 =	sshrl.u32 @!p1 s11, $0x3;
	s20 =	sor.u32 @!p1 s21, s20;
	s21 =	sshll.u32 @!p1 s14, $0x9  }
0x36: {  	s23 =	sshll.u32 @!p1 s13, $0x8;
	s24 =	sand.u32 @!p1 $0xF, s24;
	s21 =	sadd.s32 @!p1 s4, s21  }
0x37: {  	s22 =	sxor.u32 @!p1 $0xFFFFFFFF, s15;
	s20 =	sshrl.u32 @!p1 s20, $0x4;
	s21 =	sadd.s32 @!p1 s23, s21  }
0x38: {  	s20 =	sand.u32 @!p1 $0xF0, s20;
	s23 =	sand.u32 @!p1 $0x7, s11;
	s21 =	sadd.s32 @!p1 s24, s21  }
0x39: {  	s20 =	sadd.s32 @!p1 s20, s21;
	s21 =	sshll.u32 @!p1 s22, $0xE;
	s22 =	sshll.u32 @!p1 s23, $0x12  }
0x3a: {  	s23 =	simm.s32 @!p1 $0x1000;
	s21 =	sand.u32 @!p1 $0x4000, s21;
	s22 =	sor.u32 @!p1 $0x80, s22  }
0x3b: {  	[tilespmem:s21], [sflag:$0x1] =	stream.strided.gather @!p1 [hbm4b:s20+s22], $0x4000, s23, s22, $0x38;
	[tilespmem:$0x10100] =	vst v63  }
0x3c: {  	p1 =	sge.u32 s31, s7  }
.Ltmp2:
0x3d: {  	_ = 	snop;
	(pc) =	sbr.rel @p1 .LBB1_5-.Ltmp2, $1  }
0x3e: {  	_ =	sdelay $0x3  }
0x3f: {  	s20 =	simm.s32 $0x1  }
0x40: {  	_ =	swait.ge [sflag:s6], $0x4000;
	s20 =	simm.s32 @!p0 $0x0  }
0x41: {  	[sflag:s6] =	ssyncset.done $0x0;
	s21 =	sshll.u32 s20, $0xE  }
0x42: {  	[sflag:s6] =	ssyncadd.s32 $0xFFFFC000;
	s21 =	sor.u32 $0x40, s21  }
0x43: {  	v0 =	vld [tilespmem:s21+$0x20]  }
0x44: {  	v1 =	vld [tilespmem:s21+$0x30]  }
0x45: {  	v2 =	vld [tilespmem:s21+$0xFFFFFFD0]  }
0x46: {  	v3 =	vld [tilespmem:s21+$0xFFFFFFE0]  }
0x47: {  	v4 =	vld [tilespmem:s21+$0xFFFFFFF0]  }
0x48: {  	v5 =	vld [tilespmem:s21+$0x0]  }
0x49: {  	v6 =	vld [tilespmem:s21+$0x10];
	_ =	sdelay $0x1  }
0x4a: {  	s20 =	smul.u32 $0x10200, s20;
	v1 =	vperm.xlane.i2c.b16 v1;
	v0 =	vperm.xlane.i2c.b16 v0  }
0x4b: {  	v7 =	vld [tilespmem:s21+$0xFFFFFFC0];
	s21 =	sadd.s32 $0x80, s21;
	v10 =	vperm.xlane.i2c.b16 v2;
	v3 =	vperm.xlane.i2c.b16 v3  }
0x4c: {  	s20 =	sshrl.u32 s20, $0x2;
	v9 =	vld [tilespmem:s21+$0x30];
	v4 =	vperm.xlane.i2c.b16 v4;
	v5 =	vperm.xlane.i2c.b16 v5  }
0x4d: {  	s22 =	sor.u32 $0x8000, s20;
	v2 =	vld [tilespmem:s21+$0x20];
	v6 =	vperm.xlane.i2c.b16 v6;
	v8 =	vcombine.low v0, v1  }
0x4e: {  	s23 =	sadd.s32 $0x0, s22;
	v0 =	vcombine.high v0, v1;
	v1 =	vld [tilespmem:s21+$0xFFFFFFD0];
	v11 =	vcombine.low v3, v4  }
0x4f: {  	v12 =	vld [tilespmem:s21+$0xFFFFFFF0];
	[tilespmem:s23+$0x1830 ss:$0x81] =	vst.msk $0xffff, v8  }
0x50: {  	v13 =	vperm.xlane.i2c.b16 v7;
	v7 =	vcombine.low v5, v6;
	v8 =	vld [tilespmem:s21+$0xFFFFFFE0];
	[tilespmem:s23+$0x810 ss:$0x81] =	vst.msk $0xffff, v11  }
0x51: {  	v14 =	vld [tilespmem:s21+$0x0];
	v9 =	vperm.xlane.i2c.b16 v9;
	[tilespmem:s23+$0x3870 ss:$0x81] =	vst.msk $0xffff, v0;
	v0 =	vcombine.high v3, v4  }
0x52: {  	s31 =	sand.u32 $0x1, s15;
	v5 =	vcombine.high v5, v6;
	[tilespmem:s23+$0x1020 ss:$0x81] =	vst.msk $0xffff, v7;
	v3 =	vld [tilespmem:s21+$0x10];
	v11 =	vperm.xlane.i2c.b16 v2  }
0x53: {  	s20 =	smul.u32 $0x10200, s31;
	s24 =	sadd.s32 $0x80, s21;
	v4 =	vld [tilespmem:s21+$0xFFFFFFC0];
	[tilespmem:s23+$0x2850 ss:$0x81] =	vst.msk $0xffff, v0;
	v0 =	vperm.xlane.i2c.b16 v1;
	v1 =	vcombine.low v13, v10  }
0x54: {  	v7 =	vperm.xlane.i2c.b16 v12;
	v2 =	vld [tilespmem:s24+$0x20];
	[tilespmem:s23+$0x3060 ss:$0x81] =	vst.msk $0xffff, v5;
	v15 =	vcombine.low v11, v9  }
0x55: {  	s25 =	sadd.s32 $0x1, s22;
	s20 =	sshrl.u32 s20, $0x2;
	v5 =	vld [tilespmem:s24+$0x30];
	v9 =	vcombine.high v11, v9;
	v6 =	vperm.xlane.i2c.b16 v8;
	[tilespmem:s23+$0x0 ss:$0x81] =	vst.msk $0xffff, v1  }
0x56: {  	s26 =	simm.s32 $0x8;
	s27 =	simm.s32 $0xC;
	s21 =	sor.u32 $0x8000, s20;
	v10 =	vcombine.high v13, v10;
	v1 =	vld [tilespmem:s24+$0xFFFFFFD0];
	v8 =	vperm.xlane.i2c.b16 v14;
	[tilespmem:s25+$0x1830 ss:$0x81] =	vst.msk $0xffff, v15  }
.LBB1_3:
0x57: {  	p1 =	sne.s32 s27, $0x1FC;
	v11 =	vld [tilespmem:s24+$0xFFFFFFE0];
	v12 =	vcombine.low v6, v7;
	v3 =	vperm.xlane.i2c.b16 v3;
	[tilespmem:s25+$0x3870 ss:$0x81] =	vst.msk $0xffff, v9  }
0x58: {  	v13 =	vperm.xlane.i2c.b16 v4;
	v4 =	vcombine.high v6, v7;
	v9 =	vld [tilespmem:s24+$0xFFFFFFF0];
	[tilespmem:s23+$0x2040 ss:$0x81] =	vst.msk $0xffff, v10;
	s23 =	smov.u32 s25  }
0x59: {  	v10 =	vld [tilespmem:s24+$0x0];
	[tilespmem:s23+$0x810 ss:$0x81] =	vst.msk $0xffff, v12;
	v6 =	vcombine.low v8, v3;
	v7 =	vcombine.high v8, v3  }
.Ltmp3:
0x5a: {  	v8 =	vperm.xlane.i2c.b16 v5;
	v12 =	vperm.xlane.i2c.b16 v2;
	v3 =	vld [tilespmem:s24+$0x10];
	[tilespmem:s23+$0x2850 ss:$0x81] =	vst.msk $0xffff, v4;
	(pc) =	sbr.rel @p1 .LBB1_3-.Ltmp3, $4  }
0x5b: {  	v14 =	vperm.xlane.i2c.b16 v1;
	v1 =	vcombine.low v13, v0;
	v4 =	vld [tilespmem:s24+$0xFFFFFFC0];
	s24 =	sadd.s32 $0x80, s24;
	[tilespmem:s23+$0x1020 ss:$0x81] =	vst.msk $0xffff, v6  }
0x5c: {  	s25 =	sshra.s32 s26, $0x2;
	s26 =	smov.u32 s27;
	v2 =	vld [tilespmem:s24+$0x20];
	v6 =	vperm.xlane.i2c.b16 v11;
	v11 =	vcombine.low v12, v8;
	[tilespmem:s23+$0x3060 ss:$0x81] =	vst.msk $0xffff, v7  }
0x5d: {  	s25 =	sadd.s32 s25, s22;
	v5 =	vld [tilespmem:s24+$0x30];
	v7 =	vperm.xlane.i2c.b16 v9;
	v9 =	vcombine.high v12, v8;
	[tilespmem:s23+$0x0 ss:$0x81] =	vst.msk $0xffff, v1  }
0x5e: {  	s27 =	sadd.s32 $0x4, s27;
	v1 =	vld [tilespmem:s24+$0xFFFFFFD0];
	v8 =	vperm.xlane.i2c.b16 v10;
	[tilespmem:s25+$0x1830 ss:$0x81] =	vst.msk $0xffff, v11;
	v10 =	vcombine.high v13, v0;
	v0 =	vmov v14  }
.Ltmp4:
0x5f: {  	_ = 	snop;
	(pc) =	sbr.rel .LBB1_4-.Ltmp4, $1  }
0x60: {  	_ =	sdelay $0x3  }
.LBB1_6:
0x61: {  	_ =	sfence.sel $0x180000  }
0x62: {  	s1 =	simm.s32 $0x1;
	[bflag:$0x0] =	sbarrier.arrive $0xFFFF  }
0x63: {  	s31 =	simm.s32 $0x2;
	[sflag:s1] =	ssyncpa.u1 $0x1  }
0x64: {  	[sflag:s31] =	ssyncpa.u1 $0x1  }
0x65: {  	p0 =	sne.s32 s0, $0x0;
	_ =	strace $0x90000047  }
0x66: {  	s0 =	sadd.s32 @!p0 $0x100000, s2;
	[bflag:$0x2] =	sbarrier.arrive $0xFFFF  }
0x67: {  	[sflag:s0] =	ssyncadd.tile.s32 @!p0 $0x1;
	_ =	shalt  }
.Lfunc_end1:
_tile_overlayer_lowered:
.L_overlay_start_2:
0x68: {  	(tag) =	ssettag $0x2  }
0x69: {  	s0 =	rddreg [dreg:$0x0];
	s2 =	stileid.u32  }
0x6a: {  	s1 =	rddreg [dreg:$0x1];
	p0 =	sne.s32 s2, $0x0  }
0x6b: {  	s3 =	rddreg [dreg:$0x2];
	[bflag:$0x3] =	sbarrier.arrive $0xFFFF;
	s2 =	simm.s32 @!p0 $0x1C01  }
0x6c: {  	[timem:s3], [sflag:s2] =	dma.local @!p0 [hbm:s0], s1  }
0x6d: {  	s0 =	simm.s32 @!p0 $0x1  }
0x6e: {  	_ =	swait.ge @!p0 [sflag:s0], s1  }
0x6f: {  	s1 =	ssub.s32 @!p0 $0x0, s1;
	[sflag:s0] =	ssyncset.done @!p0 $0x0  }
0x70: {  	[sflag:s0] =	ssyncadd.s32 @!p0 s1  }
0x71: {  	[bflag:$0x3] =	sbarrier.arrive $0xFFFF  }
0x72: {  	_ =	shalt  }

</sc_bundles>
